<compile_context>
chip_gen: v7x
topology: tpu7x:2x2x1
jax: 0.10.2.dev20260603
libtpu: 0.0.44.dev20260713+nightly
codegen_flags: <defaults>
</compile_context>

<pallas_src>
import jax
import jax.numpy as jnp
from jax.experimental import pallas as pl
from jax.experimental.pallas import tpu as pltpu

NUM_HEADS = 12
SEQ = 256
HEAD_DIM = 64
LANES = 1024
SUB = 16


def _copy_kernel(rev_ref, out_ref):
    m = pl.program_id(0)
    y = pltpu.roll(rev_ref[...], (m + 17) % 32, axis=1)

    out_ref[:, 0, 0] = y[:, 1 : SUB + 1, :]
    for ib in range(1, 16):
        r = HEAD_DIM * (16 - ib)
        rr = pltpu.roll(y[:, 0 : SUB + 1, :], LANES - r, axis=2)
        mask = (
            jax.lax.broadcasted_iota(
                jnp.int32, (NUM_HEADS, SUB, LANES), 2
            )
            < LANES - r
        )
        out_ref[:, 0, ib] = jnp.where(
            mask, rr[:, 0:SUB, :], rr[:, 1 : SUB + 1, :]
        )


def kernel(seq_length, relative_positional_encoding):
    start = seq_length - SEQ
    sl = jax.lax.dynamic_slice(
        relative_positional_encoding,
        (0, start, 0),
        (NUM_HEADS, 2 * SEQ, HEAD_DIM),
    )
    rev = sl[:, ::-1, :].reshape(NUM_HEADS, 2 * SEQ * HEAD_DIM // LANES, LANES)

    out = pl.pallas_call(
        _copy_kernel,
        grid=(16,),
        in_specs=[
            pl.BlockSpec(rev.shape, lambda m: (0, 0, 0)),
        ],
        out_specs=pl.BlockSpec(
            (NUM_HEADS, 1, 16, SUB, LANES), lambda m: (0, m, 0, 0, 0)
        ),
        out_shape=jax.ShapeDtypeStruct(
            (NUM_HEADS, 16, 16, SUB, LANES), jnp.float32
        ),
    )(rev)
    return out.reshape(NUM_HEADS, SEQ, SEQ, HEAD_DIM)

# --- scband reference (transcript-rebuilt; emitter-appended) ---
"""Pipeline reference for scband-relative-positional-encoding-41592463294727 (READ-ONLY COPY).

The authoritative reference and input builder live on the scoring server;
editing this copy changes nothing except your own understanding.
"""

import jax, jax.numpy as jnp
import numpy as np

NUM_HEADS = 12
MAX_SEQ_LENGTH = 2048
EMBED_DIM = 768
HEAD_DIM = EMBED_DIM // NUM_HEADS
SEQ_LENGTH = 256


def setup_inputs(seed: int = 0) -> dict:
    key = jax.random.key(seed)
    relative_positional_encoding = jax.random.normal(
        key, (NUM_HEADS, MAX_SEQ_LENGTH * 2 - 1, HEAD_DIM), dtype=jnp.float32) * 0.02
    return {
        "seq_length": SEQ_LENGTH,
        "relative_positional_encoding": relative_positional_encoding,
    }


def reference(seq_length, relative_positional_encoding):
    # pos_indices[i, j] = i - j + (seq_length - 1), values in [0, 2*seq_length - 2]
    pos_indices = jnp.arange(SEQ_LENGTH)[:, None] - jnp.arange(SEQ_LENGTH)[None, :]
    pos_indices = pos_indices + seq_length - 1
    # table[:, pos_indices] -> [num_heads, S, S, head_dim]
    out = jnp.take(relative_positional_encoding, pos_indices, axis=1)
    return out

if __name__ == "__main__":
    import jax
    _d = setup_inputs()
    print(jax.jit(kernel)(*tuple(_d.values())))

</pallas_src>

<mosaic_0001>
module attributes {stable_mosaic.version = 14 : i64} {
  func.func @_copy_kernel(%arg0: i32, %arg1: memref<12x32x1024xf32, #tpu.memory_space<vmem>>, %arg2: memref<12x1x16x16x1024xf32, #tpu.memory_space<vmem>>) attributes {dimension_semantics = [#tpu.dimension_semantics<arbitrary>], iteration_bounds = array<i64: 16>, scalar_prefetch = 0 : i64, scratch_operands = 0 : i64, tpu.core_type = #tpu.core_type<tc>, window_params = [{pipeline_mode = #tpu.pipeline_mode<synchronous>, transform_indices = @transform_0, window_bounds = array<i64: 12, 32, 1024>}, {transform_indices = @transform_1, window_bounds = array<i64: 12, 1, 16, 16, 1024>}]} {
    %get3A = arith.constant 0 : index
    %get3A_0 = arith.constant 0 : index
    %get3A_1 = arith.constant 0 : index
    %get3A_2 = vector.load %arg1[%get3A, %get3A_0, %get3A_1] : memref<12x32x1024xf32, #tpu.memory_space<vmem>>, vector<12x32x1024xf32>
    %add3A = arith.constant 17 : i32
    %add3A_3 = arith.addi %arg0, %add3A : i32
    %jit3A = arith.constant 32 : i32
    %eq3A = arith.constant 0 : i32
    %eq3A_4 = arith.cmpi eq, %jit3A, %eq3A : i32
    %jit3A_5 = arith.constant 1 : i32
    %select_n3A = arith.select %eq3A_4, %jit3A_5, %jit3A : i32
    %rem3A = arith.remsi %add3A_3, %select_n3A : i32
    %ne3A = arith.constant 0 : i32
    %ne3A_6 = arith.cmpi ne, %rem3A, %ne3A : i32
    %lt3A = arith.constant 0 : i32
    %lt3A_7 = arith.cmpi slt, %rem3A, %lt3A : i32
    %lt3A_8 = arith.constant 0 : i32
    %lt3A_9 = arith.cmpi slt, %select_n3A, %lt3A_8 : i32
    %ne3A_10 = arith.xori %lt3A_7, %lt3A_9 : i1
    %and3A = arith.andi %ne3A_10, %ne3A_6 : i1
    %add3A_11 = arith.addi %rem3A, %select_n3A : i32
    %select_n3A_12 = arith.select %and3A, %add3A_11, %rem3A : i32
    %roll3A = tpu.dynamic_rotate %get3A_2 by %select_n3A_12 dim 1 : vector<12x32x1024xf32>, i32 -> vector<12x32x1024xf32>
    %slice3A = vector.extract_strided_slice %roll3A {offsets = [0, 1, 0], sizes = [12, 16, 1024], strides = [1, 1, 1]} : vector<12x32x1024xf32> to vector<12x16x1024xf32>
    %swap3A = arith.constant 0 : index
    %swap3A_13 = arith.constant 0 : index
    %swap3A_14 = arith.constant 0 : index
    %swap3A_15 = arith.constant 0 : index
    %swap3A_16 = arith.constant 0 : index
    %swap3A_17 = vector.load %arg2[%swap3A, %swap3A_13, %swap3A_14, %swap3A_15, %swap3A_16] : memref<12x1x16x16x1024xf32, #tpu.memory_space<vmem>>, vector<12x1x1x16x1024xf32>
    %swap3A_18 = vector.shape_cast %swap3A_17 : vector<12x1x1x16x1024xf32> to vector<12x16x1024xf32>
    %swap3A_19 = vector.shape_cast %slice3A : vector<12x16x1024xf32> to vector<12x1x1x16x1024xf32>
    tpu.vector_store %arg2[%swap3A, %swap3A_13, %swap3A_14, %swap3A_15, %swap3A_16], %swap3A_19 {strides = array<i32>} : memref<12x1x16x16x1024xf32, #tpu.memory_space<vmem>>, vector<12x1x1x16x1024xf32>,
    %slice3A_20 = vector.extract_strided_slice %roll3A {offsets = [0, 0, 0], sizes = [12, 17, 1024], strides = [1, 1, 1]} : vector<12x32x1024xf32> to vector<12x17x1024xf32>
    %roll3A_21 = arith.constant 64 : i32
    %roll3A_22 = tpu.dynamic_rotate %slice3A_20 by %roll3A_21 dim 2 : vector<12x17x1024xf32>, i32 -> vector<12x17x1024xf32>
    %iota3A = tpu.iota {dimensions = array<i32: 2>} : vector<12x16x1024xi32>
    %lt3A_23 = arith.constant 64 : i32
    %lt3A_24 = vector.broadcast %lt3A_23 : i32 to vector<12x16x1024xi32>
    %lt3A_25 = arith.cmpi slt, %iota3A, %lt3A_24 : vector<12x16x1024xi32>
    %slice3A_26 = vector.extract_strided_slice %roll3A_22 {offsets = [0, 0, 0], sizes = [12, 16, 1024], strides = [1, 1, 1]} : vector<12x17x1024xf32> to vector<12x16x1024xf32>
    %slice3A_27 = vector.extract_strided_slice %roll3A_22 {offsets = [0, 1, 0], sizes = [12, 16, 1024], strides = [1, 1, 1]} : vector<12x17x1024xf32> to vector<12x16x1024xf32>
    %select_n3A_28 = arith.select %lt3A_25, %slice3A_26, %slice3A_27 : vector<12x16x1024xi1>, vector<12x16x1024xf32>
    %swap3A_29 = arith.constant 0 : index
    %swap3A_30 = arith.constant 0 : index
    %swap3A_31 = arith.constant 1 : index
    %swap3A_32 = arith.constant 0 : index
    %swap3A_33 = arith.constant 0 : index
    %swap3A_34 = vector.load %arg2[%swap3A_29, %swap3A_30, %swap3A_31, %swap3A_32, %swap3A_33] : memref<12x1x16x16x1024xf32, #tpu.memory_space<vmem>>, vector<12x1x1x16x1024xf32>
    %swap3A_35 = vector.shape_cast %swap3A_34 : vector<12x1x1x16x1024xf32> to vector<12x16x1024xf32>
    %swap3A_36 = vector.shape_cast %select_n3A_28 : vector<12x16x1024xf32> to vector<12x1x1x16x1024xf32>
    tpu.vector_store %arg2[%swap3A_29, %swap3A_30, %swap3A_31, %swap3A_32, %swap3A_33], %swap3A_36 {strides = array<i32>} : memref<12x1x16x16x1024xf32, #tpu.memory_space<vmem>>, vector<12x1x1x16x1024xf32>,
    %slice3A_37 = vector.extract_strided_slice %roll3A {offsets = [0, 0, 0], sizes = [12, 17, 1024], strides = [1, 1, 1]} : vector<12x32x1024xf32> to vector<12x17x1024xf32>
    %roll3A_38 = arith.constant 128 : i32
    %roll3A_39 = tpu.dynamic_rotate %slice3A_37 by %roll3A_38 dim 2 : vector<12x17x1024xf32>, i32 -> vector<12x17x1024xf32>
    %iota3A_40 = tpu.iota {dimensions = array<i32: 2>} : vector<12x16x1024xi32>
    %lt3A_41 = arith.constant 128 : i32
    %lt3A_42 = vector.broadcast %lt3A_41 : i32 to vector<12x16x1024xi32>
    %lt3A_43 = arith.cmpi slt, %iota3A_40, %lt3A_42 : vector<12x16x1024xi32>
    %slice3A_44 = vector.extract_strided_slice %roll3A_39 {offsets = [0, 0, 0], sizes = [12, 16, 1024], strides = [1, 1, 1]} : vector<12x17x1024xf32> to vector<12x16x1024xf32>
    %slice3A_45 = vector.extract_strided_slice %roll3A_39 {offsets = [0, 1, 0], sizes = [12, 16, 1024], strides = [1, 1, 1]} : vector<12x17x1024xf32> to vector<12x16x1024xf32>
    %select_n3A_46 = arith.select %lt3A_43, %slice3A_44, %slice3A_45 : vector<12x16x1024xi1>, vector<12x16x1024xf32>
    %swap3A_47 = arith.constant 0 : index
    %swap3A_48 = arith.constant 0 : index
    %swap3A_49 = arith.constant 2 : index
    %swap3A_50 = arith.constant 0 : index
    %swap3A_51 = arith.constant 0 : index
    %swap3A_52 = vector.load %arg2[%swap3A_47, %swap3A_48, %swap3A_49, %swap3A_50, %swap3A_51] : memref<12x1x16x16x1024xf32, #tpu.memory_space<vmem>>, vector<12x1x1x16x1024xf32>
    %swap3A_53 = vector.shape_cast %swap3A_52 : vector<12x1x1x16x1024xf32> to vector<12x16x1024xf32>
    %swap3A_54 = vector.shape_cast %select_n3A_46 : vector<12x16x1024xf32> to vector<12x1x1x16x1024xf32>
    tpu.vector_store %arg2[%swap3A_47, %swap3A_48, %swap3A_49, %swap3A_50, %swap3A_51], %swap3A_54 {strides = array<i32>} : memref<12x1x16x16x1024xf32, #tpu.memory_space<vmem>>, vector<12x1x1x16x1024xf32>,
    %slice3A_55 = vector.extract_strided_slice %roll3A {offsets = [0, 0, 0], sizes = [12, 17, 1024], strides = [1, 1, 1]} : vector<12x32x1024xf32> to vector<12x17x1024xf32>
    %roll3A_56 = arith.constant 192 : i32
    %roll3A_57 = tpu.dynamic_rotate %slice3A_55 by %roll3A_56 dim 2 : vector<12x17x1024xf32>, i32 -> vector<12x17x1024xf32>
    %iota3A_58 = tpu.iota {dimensions = array<i32: 2>} : vector<12x16x1024xi32>
    %lt3A_59 = arith.constant 192 : i32
    %lt3A_60 = vector.broadcast %lt3A_59 : i32 to vector<12x16x1024xi32>
    %lt3A_61 = arith.cmpi slt, %iota3A_58, %lt3A_60 : vector<12x16x1024xi32>
    %slice3A_62 = vector.extract_strided_slice %roll3A_57 {offsets = [0, 0, 0], sizes = [12, 16, 1024], strides = [1, 1, 1]} : vector<12x17x1024xf32> to vector<12x16x1024xf32>
    %slice3A_63 = vector.extract_strided_slice %roll3A_57 {offsets = [0, 1, 0], sizes = [12, 16, 1024], strides = [1, 1, 1]} : vector<12x17x1024xf32> to vector<12x16x1024xf32>
    %select_n3A_64 = arith.select %lt3A_61, %slice3A_62, %slice3A_63 : vector<12x16x1024xi1>, vector<12x16x1024xf32>
    %swap3A_65 = arith.constant 0 : index
    %swap3A_66 = arith.constant 0 : index
    %swap3A_67 = arith.constant 3 : index
    %swap3A_68 = arith.constant 0 : index
    %swap3A_69 = arith.constant 0 : index
    %swap3A_70 = vector.load %arg2[%swap3A_65, %swap3A_66, %swap3A_67, %swap3A_68, %swap3A_69] : memref<12x1x16x16x1024xf32, #tpu.memory_space<vmem>>, vector<12x1x1x16x1024xf32>
    %swap3A_71 = vector.shape_cast %swap3A_70 : vector<12x1x1x16x1024xf32> to vector<12x16x1024xf32>
    %swap3A_72 = vector.shape_cast %select_n3A_64 : vector<12x16x1024xf32> to vector<12x1x1x16x1024xf32>
    tpu.vector_store %arg2[%swap3A_65, %swap3A_66, %swap3A_67, %swap3A_68, %swap3A_69], %swap3A_72 {strides = array<i32>} : memref<12x1x16x16x1024xf32, #tpu.memory_space<vmem>>, vector<12x1x1x16x1024xf32>,
    %slice3A_73 = vector.extract_strided_slice %roll3A {offsets = [0, 0, 0], sizes = [12, 17, 1024], strides = [1, 1, 1]} : vector<12x32x1024xf32> to vector<12x17x1024xf32>
    %roll3A_74 = arith.constant 256 : i32
    %roll3A_75 = tpu.dynamic_rotate %slice3A_73 by %roll3A_74 dim 2 : vector<12x17x1024xf32>, i32 -> vector<12x17x1024xf32>
    %iota3A_76 = tpu.iota {dimensions = array<i32: 2>} : vector<12x16x1024xi32>
    %lt3A_77 = arith.constant 256 : i32
    %lt3A_78 = vector.broadcast %lt3A_77 : i32 to vector<12x16x1024xi32>
    %lt3A_79 = arith.cmpi slt, %iota3A_76, %lt3A_78 : vector<12x16x1024xi32>
    %slice3A_80 = vector.extract_strided_slice %roll3A_75 {offsets = [0, 0, 0], sizes = [12, 16, 1024], strides = [1, 1, 1]} : vector<12x17x1024xf32> to vector<12x16x1024xf32>
    %slice3A_81 = vector.extract_strided_slice %roll3A_75 {offsets = [0, 1, 0], sizes = [12, 16, 1024], strides = [1, 1, 1]} : vector<12x17x1024xf32> to vector<12x16x1024xf32>
    %select_n3A_82 = arith.select %lt3A_79, %slice3A_80, %slice3A_81 : vector<12x16x1024xi1>, vector<12x16x1024xf32>
    %swap3A_83 = arith.constant 0 : index
    %swap3A_84 = arith.constant 0 : index
    %swap3A_85 = arith.constant 4 : index
    %swap3A_86 = arith.constant 0 : index
    %swap3A_87 = arith.constant 0 : index
    %swap3A_88 = vector.load %arg2[%swap3A_83, %swap3A_84, %swap3A_85, %swap3A_86, %swap3A_87] : memref<12x1x16x16x1024xf32, #tpu.memory_space<vmem>>, vector<12x1x1x16x1024xf32>
    %swap3A_89 = vector.shape_cast %swap3A_88 : vector<12x1x1x16x1024xf32> to vector<12x16x1024xf32>
    %swap3A_90 = vector.shape_cast %select_n3A_82 : vector<12x16x1024xf32> to vector<12x1x1x16x1024xf32>
    tpu.vector_store %arg2[%swap3A_83, %swap3A_84, %swap3A_85, %swap3A_86, %swap3A_87], %swap3A_90 {strides = array<i32>} : memref<12x1x16x16x1024xf32, #tpu.memory_space<vmem>>, vector<12x1x1x16x1024xf32>,
    %slice3A_91 = vector.extract_strided_slice %roll3A {offsets = [0, 0, 0], sizes = [12, 17, 1024], strides = [1, 1, 1]} : vector<12x32x1024xf32> to vector<12x17x1024xf32>
    %roll3A_92 = arith.constant 320 : i32
    %roll3A_93 = tpu.dynamic_rotate %slice3A_91 by %roll3A_92 dim 2 : vector<12x17x1024xf32>, i32 -> vector<12x17x1024xf32>
    %iota3A_94 = tpu.iota {dimensions = array<i32: 2>} : vector<12x16x1024xi32>
    %lt3A_95 = arith.constant 320 : i32
    %lt3A_96 = vector.broadcast %lt3A_95 : i32 to vector<12x16x1024xi32>
    %lt3A_97 = arith.cmpi slt, %iota3A_94, %lt3A_96 : vector<12x16x1024xi32>
    %slice3A_98 = vector.extract_strided_slice %roll3A_93 {offsets = [0, 0, 0], sizes = [12, 16, 1024], strides = [1, 1, 1]} : vector<12x17x1024xf32> to vector<12x16x1024xf32>
    %slice3A_99 = vector.extract_strided_slice %roll3A_93 {offsets = [0, 1, 0], sizes = [12, 16, 1024], strides = [1, 1, 1]} : vector<12x17x1024xf32> to vector<12x16x1024xf32>
    %select_n3A_100 = arith.select %lt3A_97, %slice3A_98, %slice3A_99 : vector<12x16x1024xi1>, vector<12x16x1024xf32>
    %swap3A_101 = arith.constant 0 : index
    %swap3A_102 = arith.constant 0 : index
    %swap3A_103 = arith.constant 5 : index
    %swap3A_104 = arith.constant 0 : index
    %swap3A_105 = arith.constant 0 : index
    %swap3A_106 = vector.load %arg2[%swap3A_101, %swap3A_102, %swap3A_103, %swap3A_104, %swap3A_105] : memref<12x1x16x16x1024xf32, #tpu.memory_space<vmem>>, vector<12x1x1x16x1024xf32>
    %swap3A_107 = vector.shape_cast %swap3A_106 : vector<12x1x1x16x1024xf32> to vector<12x16x1024xf32>
    %swap3A_108 = vector.shape_cast %select_n3A_100 : vector<12x16x1024xf32> to vector<12x1x1x16x1024xf32>
    tpu.vector_store %arg2[%swap3A_101, %swap3A_102, %swap3A_103, %swap3A_104, %swap3A_105], %swap3A_108 {strides = array<i32>} : memref<12x1x16x16x1024xf32, #tpu.memory_space<vmem>>, vector<12x1x1x16x1024xf32>,
    %slice3A_109 = vector.extract_strided_slice %roll3A {offsets = [0, 0, 0], sizes = [12, 17, 1024], strides = [1, 1, 1]} : vector<12x32x1024xf32> to vector<12x17x1024xf32>
    %roll3A_110 = arith.constant 384 : i32
    %roll3A_111 = tpu.dynamic_rotate %slice3A_109 by %roll3A_110 dim 2 : vector<12x17x1024xf32>, i32 -> vector<12x17x1024xf32>
    %iota3A_112 = tpu.iota {dimensions = array<i32: 2>} : vector<12x16x1024xi32>
    %lt3A_113 = arith.constant 384 : i32
    %lt3A_114 = vector.broadcast %lt3A_113 : i32 to vector<12x16x1024xi32>
    %lt3A_115 = arith.cmpi slt, %iota3A_112, %lt3A_114 : vector<12x16x1024xi32>
    %slice3A_116 = vector.extract_strided_slice %roll3A_111 {offsets = [0, 0, 0], sizes = [12, 16, 1024], strides = [1, 1, 1]} : vector<12x17x1024xf32> to vector<12x16x1024xf32>
    %slice3A_117 = vector.extract_strided_slice %roll3A_111 {offsets = [0, 1, 0], sizes = [12, 16, 1024], strides = [1, 1, 1]} : vector<12x17x1024xf32> to vector<12x16x1024xf32>
    %select_n3A_118 = arith.select %lt3A_115, %slice3A_116, %slice3A_117 : vector<12x16x1024xi1>, vector<12x16x1024xf32>
    %swap3A_119 = arith.constant 0 : index
    %swap3A_120 = arith.constant 0 : index
    %swap3A_121 = arith.constant 6 : index
    %swap3A_122 = arith.constant 0 : index
    %swap3A_123 = arith.constant 0 : index
    %swap3A_124 = vector.load %arg2[%swap3A_119, %swap3A_120, %swap3A_121, %swap3A_122, %swap3A_123] : memref<12x1x16x16x1024xf32, #tpu.memory_space<vmem>>, vector<12x1x1x16x1024xf32>
    %swap3A_125 = vector.shape_cast %swap3A_124 : vector<12x1x1x16x1024xf32> to vector<12x16x1024xf32>
    %swap3A_126 = vector.shape_cast %select_n3A_118 : vector<12x16x1024xf32> to vector<12x1x1x16x1024xf32>
    tpu.vector_store %arg2[%swap3A_119, %swap3A_120, %swap3A_121, %swap3A_122, %swap3A_123], %swap3A_126 {strides = array<i32>} : memref<12x1x16x16x1024xf32, #tpu.memory_space<vmem>>, vector<12x1x1x16x1024xf32>,
    %slice3A_127 = vector.extract_strided_slice %roll3A {offsets = [0, 0, 0], sizes = [12, 17, 1024], strides = [1, 1, 1]} : vector<12x32x1024xf32> to vector<12x17x1024xf32>
    %roll3A_128 = arith.constant 448 : i32
    %roll3A_129 = tpu.dynamic_rotate %slice3A_127 by %roll3A_128 dim 2 : vector<12x17x1024xf32>, i32 -> vector<12x17x1024xf32>
    %iota3A_130 = tpu.iota {dimensions = array<i32: 2>} : vector<12x16x1024xi32>
    %lt3A_131 = arith.constant 448 : i32
    %lt3A_132 = vector.broadcast %lt3A_131 : i32 to vector<12x16x1024xi32>
    %lt3A_133 = arith.cmpi slt, %iota3A_130, %lt3A_132 : vector<12x16x1024xi32>
    %slice3A_134 = vector.extract_strided_slice %roll3A_129 {offsets = [0, 0, 0], sizes = [12, 16, 1024], strides = [1, 1, 1]} : vector<12x17x1024xf32> to vector<12x16x1024xf32>
    %slice3A_135 = vector.extract_strided_slice %roll3A_129 {offsets = [0, 1, 0], sizes = [12, 16, 1024], strides = [1, 1, 1]} : vector<12x17x1024xf32> to vector<12x16x1024xf32>
    %select_n3A_136 = arith.select %lt3A_133, %slice3A_134, %slice3A_135 : vector<12x16x1024xi1>, vector<12x16x1024xf32>
    %swap3A_137 = arith.constant 0 : index
    %swap3A_138 = arith.constant 0 : index
    %swap3A_139 = arith.constant 7 : index
    %swap3A_140 = arith.constant 0 : index
    %swap3A_141 = arith.constant 0 : index
    %swap3A_142 = vector.load %arg2[%swap3A_137, %swap3A_138, %swap3A_139, %swap3A_140, %swap3A_141] : memref<12x1x16x16x1024xf32, #tpu.memory_space<vmem>>, vector<12x1x1x16x1024xf32>
    %swap3A_143 = vector.shape_cast %swap3A_142 : vector<12x1x1x16x1024xf32> to vector<12x16x1024xf32>
    %swap3A_144 = vector.shape_cast %select_n3A_136 : vector<12x16x1024xf32> to vector<12x1x1x16x1024xf32>
    tpu.vector_store %arg2[%swap3A_137, %swap3A_138, %swap3A_139, %swap3A_140, %swap3A_141], %swap3A_144 {strides = array<i32>} : memref<12x1x16x16x1024xf32, #tpu.memory_space<vmem>>, vector<12x1x1x16x1024xf32>,
    %slice3A_145 = vector.extract_strided_slice %roll3A {offsets = [0, 0, 0], sizes = [12, 17, 1024], strides = [1, 1, 1]} : vector<12x32x1024xf32> to vector<12x17x1024xf32>
    %roll3A_146 = arith.constant 512 : i32
    %roll3A_147 = tpu.dynamic_rotate %slice3A_145 by %roll3A_146 dim 2 : vector<12x17x1024xf32>, i32 -> vector<12x17x1024xf32>
    %iota3A_148 = tpu.iota {dimensions = array<i32: 2>} : vector<12x16x1024xi32>
    %lt3A_149 = arith.constant 512 : i32
    %lt3A_150 = vector.broadcast %lt3A_149 : i32 to vector<12x16x1024xi32>
    %lt3A_151 = arith.cmpi slt, %iota3A_148, %lt3A_150 : vector<12x16x1024xi32>
    %slice3A_152 = vector.extract_strided_slice %roll3A_147 {offsets = [0, 0, 0], sizes = [12, 16, 1024], strides = [1, 1, 1]} : vector<12x17x1024xf32> to vector<12x16x1024xf32>
    %slice3A_153 = vector.extract_strided_slice %roll3A_147 {offsets = [0, 1, 0], sizes = [12, 16, 1024], strides = [1, 1, 1]} : vector<12x17x1024xf32> to vector<12x16x1024xf32>
    %select_n3A_154 = arith.select %lt3A_151, %slice3A_152, %slice3A_153 : vector<12x16x1024xi1>, vector<12x16x1024xf32>
    %swap3A_155 = arith.constant 0 : index
    %swap3A_156 = arith.constant 0 : index
    %swap3A_157 = arith.constant 8 : index
    %swap3A_158 = arith.constant 0 : index
    %swap3A_159 = arith.constant 0 : index
    %swap3A_160 = vector.load %arg2[%swap3A_155, %swap3A_156, %swap3A_157, %swap3A_158, %swap3A_159] : memref<12x1x16x16x1024xf32, #tpu.memory_space<vmem>>, vector<12x1x1x16x1024xf32>
    %swap3A_161 = vector.shape_cast %swap3A_160 : vector<12x1x1x16x1024xf32> to vector<12x16x1024xf32>
    %swap3A_162 = vector.shape_cast %select_n3A_154 : vector<12x16x1024xf32> to vector<12x1x1x16x1024xf32>
    tpu.vector_store %arg2[%swap3A_155, %swap3A_156, %swap3A_157, %swap3A_158, %swap3A_159], %swap3A_162 {strides = array<i32>} : memref<12x1x16x16x1024xf32, #tpu.memory_space<vmem>>, vector<12x1x1x16x1024xf32>,
    %slice3A_163 = vector.extract_strided_slice %roll3A {offsets = [0, 0, 0], sizes = [12, 17, 1024], strides = [1, 1, 1]} : vector<12x32x1024xf32> to vector<12x17x1024xf32>
    %roll3A_164 = arith.constant 576 : i32
    %roll3A_165 = tpu.dynamic_rotate %slice3A_163 by %roll3A_164 dim 2 : vector<12x17x1024xf32>, i32 -> vector<12x17x1024xf32>
    %iota3A_166 = tpu.iota {dimensions = array<i32: 2>} : vector<12x16x1024xi32>
    %lt3A_167 = arith.constant 576 : i32
    %lt3A_168 = vector.broadcast %lt3A_167 : i32 to vector<12x16x1024xi32>
    %lt3A_169 = arith.cmpi slt, %iota3A_166, %lt3A_168 : vector<12x16x1024xi32>
    %slice3A_170 = vector.extract_strided_slice %roll3A_165 {offsets = [0, 0, 0], sizes = [12, 16, 1024], strides = [1, 1, 1]} : vector<12x17x1024xf32> to vector<12x16x1024xf32>
    %slice3A_171 = vector.extract_strided_slice %roll3A_165 {offsets = [0, 1, 0], sizes = [12, 16, 1024], strides = [1, 1, 1]} : vector<12x17x1024xf32> to vector<12x16x1024xf32>
    %select_n3A_172 = arith.select %lt3A_169, %slice3A_170, %slice3A_171 : vector<12x16x1024xi1>, vector<12x16x1024xf32>
    %swap3A_173 = arith.constant 0 : index
    %swap3A_174 = arith.constant 0 : index
    %swap3A_175 = arith.constant 9 : index
    %swap3A_176 = arith.constant 0 : index
    %swap3A_177 = arith.constant 0 : index
    %swap3A_178 = vector.load %arg2[%swap3A_173, %swap3A_174, %swap3A_175, %swap3A_176, %swap3A_177] : memref<12x1x16x16x1024xf32, #tpu.memory_space<vmem>>, vector<12x1x1x16x1024xf32>
    %swap3A_179 = vector.shape_cast %swap3A_178 : vector<12x1x1x16x1024xf32> to vector<12x16x1024xf32>
    %swap3A_180 = vector.shape_cast %select_n3A_172 : vector<12x16x1024xf32> to vector<12x1x1x16x1024xf32>
    tpu.vector_store %arg2[%swap3A_173, %swap3A_174, %swap3A_175, %swap3A_176, %swap3A_177], %swap3A_180 {strides = array<i32>} : memref<12x1x16x16x1024xf32, #tpu.memory_space<vmem>>, vector<12x1x1x16x1024xf32>,
    %slice3A_181 = vector.extract_strided_slice %roll3A {offsets = [0, 0, 0], sizes = [12, 17, 1024], strides = [1, 1, 1]} : vector<12x32x1024xf32> to vector<12x17x1024xf32>
    %roll3A_182 = arith.constant 640 : i32
    %roll3A_183 = tpu.dynamic_rotate %slice3A_181 by %roll3A_182 dim 2 : vector<12x17x1024xf32>, i32 -> vector<12x17x1024xf32>
    %iota3A_184 = tpu.iota {dimensions = array<i32: 2>} : vector<12x16x1024xi32>
    %lt3A_185 = arith.constant 640 : i32
    %lt3A_186 = vector.broadcast %lt3A_185 : i32 to vector<12x16x1024xi32>
    %lt3A_187 = arith.cmpi slt, %iota3A_184, %lt3A_186 : vector<12x16x1024xi32>
    %slice3A_188 = vector.extract_strided_slice %roll3A_183 {offsets = [0, 0, 0], sizes = [12, 16, 1024], strides = [1, 1, 1]} : vector<12x17x1024xf32> to vector<12x16x1024xf32>
    %slice3A_189 = vector.extract_strided_slice %roll3A_183 {offsets = [0, 1, 0], sizes = [12, 16, 1024], strides = [1, 1, 1]} : vector<12x17x1024xf32> to vector<12x16x1024xf32>
    %select_n3A_190 = arith.select %lt3A_187, %slice3A_188, %slice3A_189 : vector<12x16x1024xi1>, vector<12x16x1024xf32>
    %swap3A_191 = arith.constant 0 : index
    %swap3A_192 = arith.constant 0 : index
    %swap3A_193 = arith.constant 10 : index
    %swap3A_194 = arith.constant 0 : index
    %swap3A_195 = arith.constant 0 : index
    %swap3A_196 = vector.load %arg2[%swap3A_191, %swap3A_192, %swap3A_193, %swap3A_194, %swap3A_195] : memref<12x1x16x16x1024xf32, #tpu.memory_space<vmem>>, vector<12x1x1x16x1024xf32>
    %swap3A_197 = vector.shape_cast %swap3A_196 : vector<12x1x1x16x1024xf32> to vector<12x16x1024xf32>
    %swap3A_198 = vector.shape_cast %select_n3A_190 : vector<12x16x1024xf32> to vector<12x1x1x16x1024xf32>
    tpu.vector_store %arg2[%swap3A_191, %swap3A_192, %swap3A_193, %swap3A_194, %swap3A_195], %swap3A_198 {strides = array<i32>} : memref<12x1x16x16x1024xf32, #tpu.memory_space<vmem>>, vector<12x1x1x16x1024xf32>,
    %slice3A_199 = vector.extract_strided_slice %roll3A {offsets = [0, 0, 0], sizes = [12, 17, 1024], strides = [1, 1, 1]} : vector<12x32x1024xf32> to vector<12x17x1024xf32>
    %roll3A_200 = arith.constant 704 : i32
    %roll3A_201 = tpu.dynamic_rotate %slice3A_199 by %roll3A_200 dim 2 : vector<12x17x1024xf32>, i32 -> vector<12x17x1024xf32>
    %iota3A_202 = tpu.iota {dimensions = array<i32: 2>} : vector<12x16x1024xi32>
    %lt3A_203 = arith.constant 704 : i32
    %lt3A_204 = vector.broadcast %lt3A_203 : i32 to vector<12x16x1024xi32>
    %lt3A_205 = arith.cmpi slt, %iota3A_202, %lt3A_204 : vector<12x16x1024xi32>
    %slice3A_206 = vector.extract_strided_slice %roll3A_201 {offsets = [0, 0, 0], sizes = [12, 16, 1024], strides = [1, 1, 1]} : vector<12x17x1024xf32> to vector<12x16x1024xf32>
    %slice3A_207 = vector.extract_strided_slice %roll3A_201 {offsets = [0, 1, 0], sizes = [12, 16, 1024], strides = [1, 1, 1]} : vector<12x17x1024xf32> to vector<12x16x1024xf32>
    %select_n3A_208 = arith.select %lt3A_205, %slice3A_206, %slice3A_207 : vector<12x16x1024xi1>, vector<12x16x1024xf32>
    %swap3A_209 = arith.constant 0 : index
    %swap3A_210 = arith.constant 0 : index
    %swap3A_211 = arith.constant 11 : index
    %swap3A_212 = arith.constant 0 : index
    %swap3A_213 = arith.constant 0 : index
    %swap3A_214 = vector.load %arg2[%swap3A_209, %swap3A_210, %swap3A_211, %swap3A_212, %swap3A_213] : memref<12x1x16x16x1024xf32, #tpu.memory_space<vmem>>, vector<12x1x1x16x1024xf32>
    %swap3A_215 = vector.shape_cast %swap3A_214 : vector<12x1x1x16x1024xf32> to vector<12x16x1024xf32>
    %swap3A_216 = vector.shape_cast %select_n3A_208 : vector<12x16x1024xf32> to vector<12x1x1x16x1024xf32>
    tpu.vector_store %arg2[%swap3A_209, %swap3A_210, %swap3A_211, %swap3A_212, %swap3A_213], %swap3A_216 {strides = array<i32>} : memref<12x1x16x16x1024xf32, #tpu.memory_space<vmem>>, vector<12x1x1x16x1024xf32>,
    %slice3A_217 = vector.extract_strided_slice %roll3A {offsets = [0, 0, 0], sizes = [12, 17, 1024], strides = [1, 1, 1]} : vector<12x32x1024xf32> to vector<12x17x1024xf32>
    %roll3A_218 = arith.constant 768 : i32
    %roll3A_219 = tpu.dynamic_rotate %slice3A_217 by %roll3A_218 dim 2 : vector<12x17x1024xf32>, i32 -> vector<12x17x1024xf32>
    %iota3A_220 = tpu.iota {dimensions = array<i32: 2>} : vector<12x16x1024xi32>
    %lt3A_221 = arith.constant 768 : i32
    %lt3A_222 = vector.broadcast %lt3A_221 : i32 to vector<12x16x1024xi32>
    %lt3A_223 = arith.cmpi slt, %iota3A_220, %lt3A_222 : vector<12x16x1024xi32>
    %slice3A_224 = vector.extract_strided_slice %roll3A_219 {offsets = [0, 0, 0], sizes = [12, 16, 1024], strides = [1, 1, 1]} : vector<12x17x1024xf32> to vector<12x16x1024xf32>
    %slice3A_225 = vector.extract_strided_slice %roll3A_219 {offsets = [0, 1, 0], sizes = [12, 16, 1024], strides = [1, 1, 1]} : vector<12x17x1024xf32> to vector<12x16x1024xf32>
    %select_n3A_226 = arith.select %lt3A_223, %slice3A_224, %slice3A_225 : vector<12x16x1024xi1>, vector<12x16x1024xf32>
    %swap3A_227 = arith.constant 0 : index
    %swap3A_228 = arith.constant 0 : index
    %swap3A_229 = arith.constant 12 : index
    %swap3A_230 = arith.constant 0 : index
    %swap3A_231 = arith.constant 0 : index
    %swap3A_232 = vector.load %arg2[%swap3A_227, %swap3A_228, %swap3A_229, %swap3A_230, %swap3A_231] : memref<12x1x16x16x1024xf32, #tpu.memory_space<vmem>>, vector<12x1x1x16x1024xf32>
    %swap3A_233 = vector.shape_cast %swap3A_232 : vector<12x1x1x16x1024xf32> to vector<12x16x1024xf32>
    %swap3A_234 = vector.shape_cast %select_n3A_226 : vector<12x16x1024xf32> to vector<12x1x1x16x1024xf32>
    tpu.vector_store %arg2[%swap3A_227, %swap3A_228, %swap3A_229, %swap3A_230, %swap3A_231], %swap3A_234 {strides = array<i32>} : memref<12x1x16x16x1024xf32, #tpu.memory_space<vmem>>, vector<12x1x1x16x1024xf32>,
    %slice3A_235 = vector.extract_strided_slice %roll3A {offsets = [0, 0, 0], sizes = [12, 17, 1024], strides = [1, 1, 1]} : vector<12x32x1024xf32> to vector<12x17x1024xf32>
    %roll3A_236 = arith.constant 832 : i32
    %roll3A_237 = tpu.dynamic_rotate %slice3A_235 by %roll3A_236 dim 2 : vector<12x17x1024xf32>, i32 -> vector<12x17x1024xf32>
    %iota3A_238 = tpu.iota {dimensions = array<i32: 2>} : vector<12x16x1024xi32>
    %lt3A_239 = arith.constant 832 : i32
    %lt3A_240 = vector.broadcast %lt3A_239 : i32 to vector<12x16x1024xi32>
    %lt3A_241 = arith.cmpi slt, %iota3A_238, %lt3A_240 : vector<12x16x1024xi32>
    %slice3A_242 = vector.extract_strided_slice %roll3A_237 {offsets = [0, 0, 0], sizes = [12, 16, 1024], strides = [1, 1, 1]} : vector<12x17x1024xf32> to vector<12x16x1024xf32>
    %slice3A_243 = vector.extract_strided_slice %roll3A_237 {offsets = [0, 1, 0], sizes = [12, 16, 1024], strides = [1, 1, 1]} : vector<12x17x1024xf32> to vector<12x16x1024xf32>
    %select_n3A_244 = arith.select %lt3A_241, %slice3A_242, %slice3A_243 : vector<12x16x1024xi1>, vector<12x16x1024xf32>
    %swap3A_245 = arith.constant 0 : index
    %swap3A_246 = arith.constant 0 : index
    %swap3A_247 = arith.constant 13 : index
    %swap3A_248 = arith.constant 0 : index
    %swap3A_249 = arith.constant 0 : index
    %swap3A_250 = vector.load %arg2[%swap3A_245, %swap3A_246, %swap3A_247, %swap3A_248, %swap3A_249] : memref<12x1x16x16x1024xf32, #tpu.memory_space<vmem>>, vector<12x1x1x16x1024xf32>
    %swap3A_251 = vector.shape_cast %swap3A_250 : vector<12x1x1x16x1024xf32> to vector<12x16x1024xf32>
    %swap3A_252 = vector.shape_cast %select_n3A_244 : vector<12x16x1024xf32> to vector<12x1x1x16x1024xf32>
    tpu.vector_store %arg2[%swap3A_245, %swap3A_246, %swap3A_247, %swap3A_248, %swap3A_249], %swap3A_252 {strides = array<i32>} : memref<12x1x16x16x1024xf32, #tpu.memory_space<vmem>>, vector<12x1x1x16x1024xf32>,
    %slice3A_253 = vector.extract_strided_slice %roll3A {offsets = [0, 0, 0], sizes = [12, 17, 1024], strides = [1, 1, 1]} : vector<12x32x1024xf32> to vector<12x17x1024xf32>
    %roll3A_254 = arith.constant 896 : i32
    %roll3A_255 = tpu.dynamic_rotate %slice3A_253 by %roll3A_254 dim 2 : vector<12x17x1024xf32>, i32 -> vector<12x17x1024xf32>
    %iota3A_256 = tpu.iota {dimensions = array<i32: 2>} : vector<12x16x1024xi32>
    %lt3A_257 = arith.constant 896 : i32
    %lt3A_258 = vector.broadcast %lt3A_257 : i32 to vector<12x16x1024xi32>
    %lt3A_259 = arith.cmpi slt, %iota3A_256, %lt3A_258 : vector<12x16x1024xi32>
    %slice3A_260 = vector.extract_strided_slice %roll3A_255 {offsets = [0, 0, 0], sizes = [12, 16, 1024], strides = [1, 1, 1]} : vector<12x17x1024xf32> to vector<12x16x1024xf32>
    %slice3A_261 = vector.extract_strided_slice %roll3A_255 {offsets = [0, 1, 0], sizes = [12, 16, 1024], strides = [1, 1, 1]} : vector<12x17x1024xf32> to vector<12x16x1024xf32>
    %select_n3A_262 = arith.select %lt3A_259, %slice3A_260, %slice3A_261 : vector<12x16x1024xi1>, vector<12x16x1024xf32>
    %swap3A_263 = arith.constant 0 : index
    %swap3A_264 = arith.constant 0 : index
    %swap3A_265 = arith.constant 14 : index
    %swap3A_266 = arith.constant 0 : index
    %swap3A_267 = arith.constant 0 : index
    %swap3A_268 = vector.load %arg2[%swap3A_263, %swap3A_264, %swap3A_265, %swap3A_266, %swap3A_267] : memref<12x1x16x16x1024xf32, #tpu.memory_space<vmem>>, vector<12x1x1x16x1024xf32>
    %swap3A_269 = vector.shape_cast %swap3A_268 : vector<12x1x1x16x1024xf32> to vector<12x16x1024xf32>
    %swap3A_270 = vector.shape_cast %select_n3A_262 : vector<12x16x1024xf32> to vector<12x1x1x16x1024xf32>
    tpu.vector_store %arg2[%swap3A_263, %swap3A_264, %swap3A_265, %swap3A_266, %swap3A_267], %swap3A_270 {strides = array<i32>} : memref<12x1x16x16x1024xf32, #tpu.memory_space<vmem>>, vector<12x1x1x16x1024xf32>,
    %slice3A_271 = vector.extract_strided_slice %roll3A {offsets = [0, 0, 0], sizes = [12, 17, 1024], strides = [1, 1, 1]} : vector<12x32x1024xf32> to vector<12x17x1024xf32>
    %roll3A_272 = arith.constant 960 : i32
    %roll3A_273 = tpu.dynamic_rotate %slice3A_271 by %roll3A_272 dim 2 : vector<12x17x1024xf32>, i32 -> vector<12x17x1024xf32>
    %iota3A_274 = tpu.iota {dimensions = array<i32: 2>} : vector<12x16x1024xi32>
    %lt3A_275 = arith.constant 960 : i32
    %lt3A_276 = vector.broadcast %lt3A_275 : i32 to vector<12x16x1024xi32>
    %lt3A_277 = arith.cmpi slt, %iota3A_274, %lt3A_276 : vector<12x16x1024xi32>
    %slice3A_278 = vector.extract_strided_slice %roll3A_273 {offsets = [0, 0, 0], sizes = [12, 16, 1024], strides = [1, 1, 1]} : vector<12x17x1024xf32> to vector<12x16x1024xf32>
    %slice3A_279 = vector.extract_strided_slice %roll3A_273 {offsets = [0, 1, 0], sizes = [12, 16, 1024], strides = [1, 1, 1]} : vector<12x17x1024xf32> to vector<12x16x1024xf32>
    %select_n3A_280 = arith.select %lt3A_277, %slice3A_278, %slice3A_279 : vector<12x16x1024xi1>, vector<12x16x1024xf32>
    %swap3A_281 = arith.constant 0 : index
    %swap3A_282 = arith.constant 0 : index
    %swap3A_283 = arith.constant 15 : index
    %swap3A_284 = arith.constant 0 : index
    %swap3A_285 = arith.constant 0 : index
    %swap3A_286 = vector.load %arg2[%swap3A_281, %swap3A_282, %swap3A_283, %swap3A_284, %swap3A_285] : memref<12x1x16x16x1024xf32, #tpu.memory_space<vmem>>, vector<12x1x1x16x1024xf32>
    %swap3A_287 = vector.shape_cast %swap3A_286 : vector<12x1x1x16x1024xf32> to vector<12x16x1024xf32>
    %swap3A_288 = vector.shape_cast %select_n3A_280 : vector<12x16x1024xf32> to vector<12x1x1x16x1024xf32>
    tpu.vector_store %arg2[%swap3A_281, %swap3A_282, %swap3A_283, %swap3A_284, %swap3A_285], %swap3A_288 {strides = array<i32>} : memref<12x1x16x16x1024xf32, #tpu.memory_space<vmem>>, vector<12x1x1x16x1024xf32>,
    return
  }
  func.func @transform_0(%arg0: i32) -> (i32, i32, i32) {
    %c0_i32 = arith.constant 0 : i32
    %c0_i32_0 = arith.constant 0 : i32
    %c0_i32_1 = arith.constant 0 : i32
    %c0_i32_2 = arith.constant 0 : i32
    return %c0_i32, %c0_i32_0, %c0_i32_1 : i32, i32, i32
  }
  func.func @transform_1(%arg0: i32) -> (i32, i32, i32, i32, i32) {
    %c0_i32 = arith.constant 0 : i32
    %c0_i32_0 = arith.constant 0 : i32
    %c0_i32_1 = arith.constant 0 : i32
    %c0_i32_2 = arith.constant 0 : i32
    %c0_i32_3 = arith.constant 0 : i32
    return %c0_i32, %arg0, %c0_i32_0, %c0_i32_1, %c0_i32_2 : i32, i32, i32, i32, i32
  }
}

</mosaic_0001>

<sc_bundles>
// kernel: sparse-core-data-format-call.cloned.1.call-start
scs
called_computation_lowered:
.L_overlay_start_0:
0x0: {  	s2 =	sld [smem:$0x3FD9]  }
0x1: {  	s3 =	sld [smem:$0x3FFE];
	_ =	sdelay $0x1  }
0x2: {  	s1 =	srdreg.scid  }
0x3: {  	s0 =	sand.u32 $0x1, s1  }
0x4: {  	s18 =	sshll.u32 s0, $0xA;
	s2 =	sadd.s32 s3, s2  }
0x5: {  	s2 =	sadd.s32 s2, s18  }
0x6: {  	[smem:$0x3FC6] =	sst s2  }
0x7: {  	_ = 	snop  }
0x8: {  	s2 =	sld [smem:$0x3FD0];
	(tm) =	ssettm $0x1  }
0x9: {  	s19 =	sld [smem:$0x3FFB];
	_ =	sdelay $0x3  }
0xa: {  	_ =	strace s19  }
0xb: {  	s3 =	sld [smem:$0x3FFC];
	_ =	sdelay $0x3  }
0xc: {  	_ =	strace s3  }
0xd: {  	s3 =	sld [smem:$0x3FFD];
	_ =	sdelay $0x3  }
0xe: {  	_ =	strace s3  }
0xf: {  	_ =	strace $0x8FFFFFFF  }
0x10: {  	s20 =	sld [smem:$0x3FDB];
	_ =	sdelay $0x1  }
0x11: {  	s4 =	simm.s32 $_scs_section_size  }
0x12: {  	s5 =	simm.s32 $_size__tile_overlayer_lowered;
	s6 =	simm.s32 $_tile_overlayer_lowered  }
0x13: {  	s23 =	simm.s32 $0x1BFF;
	s22 =	sshll.u32 s6, $0x1;
	s3 =	sadd.s32 s4, s20  }
0x14: {  	s7 =	simm.s32 $0x0;
	s21 =	sshll.u32 s5, $0x1;
	s5 =	sadd.s32 s22, s3  }
0x15: {  	[timem:s7], [sflag:s23] =	dma.local [hbm:s5], s21  }
0x16: {  	_ =	swait.ge [sflag:s23], s21  }
0x17: {  	s4 =	ssub.s32 $0x0, s21;
	[sflag:s23] =	ssyncset.done $0x0  }
0x18: {  	[sflag:s23] =	ssyncadd.s32 s4;
	_ =	sdelay $0x1  }
0x19: {  	s24 =	simm.s32 $0x1B8B  }
0x1a: {  	_ =	swait.ge [sflag:s24], $0x1  }
0x1b: {  	[sflag:s24] =	ssyncset.done $0x0  }
0x1c: {  	s26 =	simm.s32 $0x1B8E;
	s25 =	sld [smem:$0x3FFE];
	[sflag:s24] =	ssyncadd.s32 $0xFFFFFFFF  }
0x1d: {  	s27 =	simm.s32 $execute0_lowered;
	[smem:$0x3FD2] =	sst s26  }
0x1e: {  	s5 =	sshll.u32 s27, $0x1;
	_ =	strace $0x80000046;
	[dreg:$0x1] =	wrdreg $0xFFFFFFFF  }
0x1f: {  	s28 =	simm.s32 $_size_execute0_lowered;
	s3 =	sadd.s32 s3, s5;
	[dreg:$0x0] =	wrdreg $0x0  }
0x20: {  	s5 =	sshll.u32 s28, $0x1;
	[dreg:$0x2] =	wrdreg s3  }
0x21: {  	[dreg:$0x3] =	wrdreg s5  }
0x22: {  	[dreg:$0x4] =	wrdreg $0xC0  }
0x23: {  	_ =	task [dreg:s7], $0x5FFFF  }
0x24: {  	[dreg:$0x1] =	wrdreg $0xFFFFFFFF  }
0x25: {  	[dreg:$0x0] =	wrdreg $0x60  }
0x26: {  	[dreg:$0x2] =	wrdreg s25  }
0x27: {  	[dreg:$0x3] =	wrdreg s2  }
0x28: {  	[dreg:$0x4] =	wrdreg $0x9  }
0x29: {  	_ =	task.clear_ibuf [dreg:s7], $0x5FFFF;
	_ =	strace $0x90000046  }
0x2a: {  	s29 =	simm.s32 $0x9;
	_ =	strace $0x80000048  }
0x2b: {  	_ =	swait.ge [sflag:s29], $0x1  }
0x2c: {  	[sflag:s29] =	ssyncadd.s32 $0xFFFFFFFF  }
0x2d: {  	_ =	strace $0x90000048  }
0x2e: {  	_ =	sfence  }
0x2f: {  	s30 =	sld [smem:$0x0];
	_ =	sdelay $0x2  }
0x30: {  	s31 =	sshll.u32 s1, $0xD;
	s1 =	sshrl.u32 s1, $0x2  }
0x31: {  	s3 =	sand.u32 $0x4000, s31;
	s1 =	sadd.s32 s1, s30  }
0x32: {  	s0 =	sor.u32 s3, s0;
	s1 =	sshll.u32 s1, $0x11  }
0x33: {  	s0 =	sor.u32 s1, s0  }
0x34: {  	s0 =	sadd.s32 $0x8F2B, s0  }
0x35: {  	[sflag:s0] =	ssyncadd.remote.s32 $0x1  }
0x36: {  	_ =	sfence.sel $0xFFFF  }
0x37: {  	[dreg:$0x0] =	wrdreg $0xFFFFFFFF;
	(pc) =	sbr.abs _section_cstart, $3  }
0x38: {  	[dreg:$0x1] =	wrdreg $0xFFFFFFFF  }
0x39: {  	_ =	task.clear_ibuf [dreg:s7], $0x2FFFF;
	_ =	strace $0x9FFFFFFF  }
0x3a: {  	(tm) =	ssettm $0x7FFFFFFF  }
0x3b: {  	_ =	shalt  }
tec
execute0_lowered:
.L_overlay_start_1:
0x0: {  	(tag) =	ssettag $0x1  }
0x1: {  	s0 =	srdreg.scid  }
0x2: {  	s1 =	sshll.u32 s0, $0x4  }
0x3: {  	s7 =	rddreg [dreg:$0x0];
	s0 =	stileid.u32;
	s1 =	sand.u32 $0x10, s1  }
0x4: {  	s3 =	rddreg [dreg:$0x1];
	s5 =	simm.s32 $0x1;
	s1 =	sor.u32 s0, s1  }
0x5: {  	s8 =	simm.s32 $0x2;
	s14 =	simm.s32 $0x0;
	s2 =	sshll.u32 s1, $0x1  }
0x6: {  	s9 =	simm.s32 $0x800;
	s15 =	simm.s32 $0x0;
	s4 =	ssub.s32 $0x100, s2  }
0x7: {  	s16 =	simm.s32 $0x0;
	s10 =	simm.s32 $0x0;
	s31 =	sand.u32 $0x3E, s4  }
0x8: {  	s12 =	simm.s32 $0x0;
	s1 =	rddreg [dreg:$0x2];
	p0 =	sne.s32 s31, $0x0  }
.Ltmp0:
0x9: {  	s6 =	sshrl.u32 s4, $0x6;
	s5 =	simm.s32 @!p0 $0x0;
	(pc) =	sbr.rel .LBB1_1-.Ltmp0, $4  }
0xa: {  	_ =	strace $0x80000047;
	s4 =	simm.s32 $0x1;
	s5 =	sadd.s32 s5, s6  }
0xb: {  	s13 =	simm.s32 $0x0;
	[sflag:s4] =	ssyncpa.u1 $0x0;
	s5 =	smul.u32 $0x18, s5  }
0xc: {  	s11 =	smov.u32 s2;
	[sflag:s8] =	ssyncpa.u1 $0x0;
	p0 =	por $0x0, $0x0  }
0xd: {  	s6 =	sadd.s32 $0x600, s7;
	s7 =	sadd.s32 $0x1600, s7;
	s8 =	sor.u32 $0x1, s5  }
.LBB1_7:
0xe: {  	s17 =	sadd.s32 $0x80, s10  }
0xf: {  	s14 =	sadd.s32 $0x40, s11;
	s18 =	smov.u32 s11;
	p2 =	sgt.s32 s17, $0xFF  }
0x10: {  	s18 =	smov.u32 @p2 s14  }
0x11: {  	s14 =	simm.s32 $0x1;
	p3 =	sgt.s32 s18, $0xFF  }
0x12: {  	s14 =	simm.s32 @!p3 $0x0  }
0x13: {  	s20 =	sadd.s32 s14, s12  }
0x14: {  	s17 =	simm.s32 @p2 $0x0;
	p2 =	sgt.s32 s20, $0xB  }
0x15: {  	p1 =	slt.u32 s13, $0x2;
	s20 =	simm.s32 @p2 $0x0;
	p2 =	sne.s32 s13, s8  }
.Ltmp1:
0x16: {  	s19 =	simm.s32 @!p1 $0x2;
	(pc) =	sbr.rel @!p2 .LBB1_8-.Ltmp1, $4  }
0x17: {  	s15 =	smov.u32 s11;
	s16 =	smov.u32 s12;
	_ =	swait.ge @!p1 [sflag:s19], $0x4000  }
0x18: {  	p0 =	por !p0, !p0;
	[sflag:s19] =	ssyncset.done @!p1 $0x0;
	s18 =	smov.u32 @p3 s2  }
0x19: {  	[sflag:s19] =	ssyncadd.s32 @!p1 $0xFFFFC000;
	s14 =	smov.u32 s10;
	s10 =	smov.u32 s17  }
0x1a: {  	s11 =	smov.u32 s18;
	s13 =	sadd.s32 $0x1, s13;
	s12 =	smov.u32 s20  }
.LBB1_1:
0x1b: {  	p1 =	sge.u32 s13, s5  }
0x1c: {  	s17 =	sxor.u32 @!p1 $0xFFFFFFFF, s13;
	s18 =	sshll.u32 @!p1 s12, $0x14  }
0x1d: {  	s19 =	sshll.u32 @!p1 s11, $0xC;
	s21 =	sshll.u32 @!p1 s10, $0x4;
	s22 =	simm.s32 @!p1 $0x40  }
0x1e: {  	s23 =	simm.s32 @!p1 $0x80;
	s17 =	sshll.u32 @!p1 s17, $0xE;
	s20 =	sadd.s32 @!p1 s18, s19  }
0x1f: {  	s21 =	sand.u32 @!p1 $0xFF0, s21;
	s18 =	sadd.s32 @!p1 s18, s7;
	s20 =	sadd.s32 @!p1 s6, s20  }
0x20: {  	s17 =	sand.u32 @!p1 $0x4000, s17;
	s18 =	sadd.s32 @!p1 s19, s18;
	s20 =	sadd.s32 @!p1 s21, s20  }
0x21: {  	[tilespmem:s17], [sflag:$0x1] =	stream.strided.gather @!p1 [hbm4b:s20+s22], $0x2000, s23, s22, $0x38;
	[tilespmem:$0x10100] =	vst v63  }
0x22: {  	s31 =	sadd.s32 $0xFFFFFFFF, s13;
	s18 =	sadd.s32 @!p1 s21, s18;
	s17 =	sor.u32 @!p1 $0x2000, s17  }
0x23: {  	[tilespmem:s17], [sflag:$0x1] =	stream.strided.gather @!p1 [hbm4b:s18+s22], $0x2000, s23, s22, $0x38;
	[tilespmem:$0x10100] =	vst v63  }
0x24: {  	p1 =	sge.u32 s31, s5  }
.Ltmp2:
0x25: {  	_ = 	snop;
	(pc) =	sbr.rel @p1 .LBB1_7-.Ltmp2, $1  }
0x26: {  	_ =	sdelay $0x3  }
0x27: {  	s17 =	simm.s32 $0x1;
	s19 =	sand.u32 $0x1, s13  }
0x28: {  	_ =	swait.ge [sflag:s4], $0x4000;
	s17 =	simm.s32 @!p0 $0x0;
	s19 =	smul.u32 $0x10200, s19  }
0x29: {  	p2 =	por $0x1, $0x1;
	[sflag:s4] =	ssyncset.done $0x0;
	s18 =	smul.u32 $0x10200, s17  }
0x2a: {  	s20 =	sshll.u32 s17, $0x10;
	[sflag:s4] =	ssyncadd.s32 $0xFFFFC000;
	s30 =	sshrl.u32 s19, $0x2  }
0x2b: {  	s31 =	sshrl.u32 s20, $0x2;
	s20 =	simm.s32 $0x0;
	s18 =	sshrl.u32 s18, $0x2  }
0x2c: {  	s17 =	sor.u32 $0x8000, s30;
	s19 =	sadd.s32 $0x20, s31;
	s18 =	sor.u32 $0x8000, s18  }
.LBB1_3:
0x2d: {  	s21 =	sshll.u32 s20, $0xD  }
0x2e: {  	s21 =	sand.u32 $0x3FFFE000, s21  }
0x2f: {  	s23 =	sadd.s32 s21, s19  }
0x30: {  	s31 =	smul.u32 $0x8100, s20;
	v3 =	vld [tilespmem:s23+$0x10]  }
0x31: {  	v1 =	vld [tilespmem:s23+$0xFFFFFFF0]  }
0x32: {  	s20 =	sshra.s32 s31, $0x2;
	v0 =	vld [tilespmem:s23+$0x0]  }
0x33: {  	s20 =	sadd.s32 s20, s18;
	v2 =	vld [tilespmem:s23+$0xFFFFFFE0]  }
0x34: {  	s21 =	sadd.s32 $0x0, s20  }
0x35: {  	p1 =	por p2, p2;
	s22 =	simm.s32 $0x4;
	s23 =	sadd.s32 $0x40, s23;
	[tilespmem:s21+$0x1830 ss:$0x81] =	vst.msk $0xffff, v3  }
.LBB1_4:
0x36: {  	v3 =	vld [tilespmem:s23+$0x10];
	p2 =	sne.s32 s22, $0x1FC;
	[tilespmem:s21+$0x810 ss:$0x81] =	vst.msk $0xffff, v1;
	s24 =	smov.u32 s22;
	s22 =	sadd.s32 $0x4, s22  }
.Ltmp3:
0x37: {  	v1 =	vld [tilespmem:s23+$0xFFFFFFF0];
	[tilespmem:s21+$0x1020 ss:$0x81] =	vst.msk $0xffff, v0;
	(pc) =	sbr.rel @p2 .LBB1_4-.Ltmp3, $4  }
0x38: {  	v0 =	vld [tilespmem:s23+$0x0];
	[tilespmem:s21+$0x0 ss:$0x81] =	vst.msk $0xffff, v2  }
0x39: {  	s21 =	sshra.s32 s24, $0x2;
	v2 =	vld [tilespmem:s23+$0xFFFFFFE0]  }
0x3a: {  	s21 =	sadd.s32 s21, s20  }
0x3b: {  	s23 =	sadd.s32 $0x40, s23;
	[tilespmem:s21+$0x1830 ss:$0x81] =	vst.msk $0xffff, v3  }
.Ltmp4:
0x3c: {  	(pc) =	sbr.rel @p1 .LBB1_3-.Ltmp4, $4  }
0x3d: {  	_ = 	snop  }
0x3e: {  	[tilespmem:s21+$0x810 ss:$0x81] =	vst.msk $0xffff, v1  }
0x3f: {  	[tilespmem:s21+$0x1020 ss:$0x81] =	vst.msk $0xffff, v0  }
0x40: {  	s20 =	simm.s32 $0x1;
	p2 =	por $0x0, $0x0;
	[tilespmem:s21+$0x0 ss:$0x81] =	vst.msk $0xffff, v2  }
0x41: {  	s16 =	sshll.u32 s16, $0x13;
	s18 =	sand.u32 $0x780, s14  }
.Ltmp5:
0x42: {  	s15 =	sshll.u32 s15, $0xB;
	s16 =	sadd.s32 s3, s16;
	(pc) =	sbr.rel .LBB1_7-.Ltmp5, $4  }
0x43: {  	s19 =	sshrl.u32 s14, $0x3;
	s30 =	sand.u32 $0x7, s14;
	s15 =	sadd.s32 s15, s16  }
0x44: {  	s31 =	sand.u32 $0xF, s19;
	s14 =	sshll.u32 s30, $0x12;
	s15 =	sadd.s32 s18, s15  }
0x45: {  	s14 =	sor.u32 $0x400, s14;
	s15 =	sadd.s32 s31, s15  }
0x46: {  	[hbm4b:s15+s14] =	stream.strided.scatter [tilespmem:s17], [sflag:$0x2], $0x4000, s9, s14, $0x20;
	[tilespmem:$0x10100] =	vst v63  }
.LBB1_8:
0x47: {  	_ =	sfence.sel $0x180000  }
0x48: {  	s2 =	simm.s32 $0x1;
	[bflag:$0x0] =	sbarrier.arrive $0xFFFF  }
0x49: {  	s31 =	simm.s32 $0x2;
	[sflag:s2] =	ssyncpa.u1 $0x1  }
0x4a: {  	[sflag:s31] =	ssyncpa.u1 $0x1  }
0x4b: {  	p0 =	sne.s32 s0, $0x0;
	_ =	strace $0x90000047  }
0x4c: {  	s0 =	sadd.s32 @!p0 $0x100000, s1;
	[bflag:$0x2] =	sbarrier.arrive $0xFFFF  }
0x4d: {  	[sflag:s0] =	ssyncadd.tile.s32 @!p0 $0x1;
	_ =	shalt  }
.Lfunc_end1:
_tile_overlayer_lowered:
.L_overlay_start_2:
0x4e: {  	(tag) =	ssettag $0x2  }
0x4f: {  	s0 =	rddreg [dreg:$0x0];
	s2 =	stileid.u32  }
0x50: {  	s1 =	rddreg [dreg:$0x1];
	p0 =	sne.s32 s2, $0x0  }
0x51: {  	s3 =	rddreg [dreg:$0x2];
	[bflag:$0x3] =	sbarrier.arrive $0xFFFF;
	s2 =	simm.s32 @!p0 $0x1C01  }
0x52: {  	[timem:s3], [sflag:s2] =	dma.local @!p0 [hbm:s0], s1  }
0x53: {  	s0 =	simm.s32 @!p0 $0x1  }
0x54: {  	_ =	swait.ge @!p0 [sflag:s0], s1  }
0x55: {  	s1 =	ssub.s32 @!p0 $0x0, s1;
	[sflag:s0] =	ssyncset.done @!p0 $0x0  }
0x56: {  	[sflag:s0] =	ssyncadd.s32 @!p0 s1  }
0x57: {  	[bflag:$0x3] =	sbarrier.arrive $0xFFFF  }
0x58: {  	_ =	shalt  }

</sc_bundles>
